<compile_context>
chip_gen: v7x
topology: tpu7x:2x2x1
jax: 0.10.2.dev20260603
libtpu: 0.0.44.dev20260713+nightly
codegen_flags: <defaults>
</compile_context>

<pallas_src>
import functools

import jax
import jax.numpy as jnp
from jax import lax
from jax.experimental import pallas as pl
from jax.experimental.pallas import tpu as pltpu
from jax.experimental.pallas import tpu_sc as plsc

D_MODEL = 128
D4 = D_MODEL // 4
S_LEN = 200
B_TOT = 4096
K_PACK = 96

_info = plsc.get_sparse_core_info()
NC, NS, L = _info.num_cores, _info.num_subcores, _info.num_lanes
NW = NC * NS

REP = 4
SREP = 16
ROWS_PER_W_T = B_TOT // NW
SPLIT_T = 80
ROW_F = S_LEN * D_MODEL


def _table_body(wcat_ref, gamma_ref, beta_ref, out_ref):
    pos = jax.lax.broadcasted_iota(jnp.int32, (S_LEN, K_PACK), 0)
    col = jax.lax.broadcasted_iota(jnp.int32, (S_LEN, K_PACK), 1)
    day = (col == pos % 7) & (col < 7)
    hour = ((col - 7) == pos % 24) & (col >= 7) & (col < 31)
    minute = ((col - 31) == pos % 60) & (col >= 31) & (col < 91)
    onehot = (day | hour | minute).astype(jnp.float32)
    scale = jnp.where(col == 91, 1.0 / 15,
                      jnp.where(col == 92, 1.0 / 60,
                                jnp.where(col == 93, 1.0 / 150, 0.0)))
    ivals = jnp.where(pos == 0, 0.0, scale) * ((col >= 91) & (col < 94))
    ones = (col == 94).astype(jnp.float32)
    x = onehot + ivals + ones
    tbl = jnp.dot(x, wcat_ref[...], preferred_element_type=jnp.float32)
    mean = jnp.mean(tbl, axis=-1, keepdims=True)
    cent = tbl - mean
    var = jnp.mean(cent * cent, axis=-1, keepdims=True)
    normed = cent * jax.lax.rsqrt(var + 1e-5)
    out_ref[...] = normed * gamma_ref[...] + beta_ref[...]


def _compute_table(day_emb, hour_emb, minute_emb, W_int, b_int, gamma, beta):
    wcat = jnp.zeros((K_PACK, D_MODEL), jnp.float32)
    wcat = wcat.at[0:7, 0:D4].set(day_emb)
    wcat = wcat.at[7:31, D4:2 * D4].set(hour_emb)
    wcat = wcat.at[31:91, 2 * D4:3 * D4].set(minute_emb)
    wcat = wcat.at[91:94, 3 * D4:].set(W_int)
    wcat = wcat.at[94, 3 * D4:].set(b_int)
    return pl.pallas_call(
        _table_body,
        out_shape=jax.ShapeDtypeStruct((S_LEN, D_MODEL), jnp.float32),
    )(wcat, gamma.reshape(1, -1), beta.reshape(1, -1))


def _sc_broadcast(table_flat):
    mesh = plsc.VectorSubcoreMesh(core_axis_name="c", subcore_axis_name="s")

    @functools.partial(
        pl.kernel,
        mesh=mesh,
        out_type=jax.ShapeDtypeStruct((B_TOT * ROW_F,), jnp.float32),
        compiler_params=pltpu.CompilerParams(needs_layout_passes=False),
        scratch_types=[
            pltpu.VMEM((REP * ROW_F,), jnp.float32),
            pltpu.VMEM_SHARED((SREP * ROW_F,), jnp.float32),
            pltpu.SemaphoreType.DMA,
            pltpu.SemaphoreType.DMA,
        ],
    )
    def k(tbl_h, out_h, buf, shbuf, sem, sem_sh):
        sid = lax.axis_index("s")
        cid = lax.axis_index("c")
        wid = sid * NC + cid
        for r in range(REP):
            pltpu.sync_copy(tbl_h, buf.at[pl.ds(r * ROW_F, ROW_F)])
        pltpu.sync_copy(tbl_h, shbuf.at[pl.ds(sid * ROW_F, ROW_F)])
        plsc.subcore_barrier()

        base_out = wid * (ROWS_PER_W_T * ROW_F)
        n_dma_t = SPLIT_T // REP
        n_dma_s = (ROWS_PER_W_T - SPLIT_T) // SREP
        base_sh = base_out + SPLIT_T * ROW_F
        DEPTH = 4

        for i in range(n_dma_s):
            pltpu.async_copy(
                shbuf,
                out_h.at[pl.ds(base_sh + i * (SREP * ROW_F), SREP * ROW_F)],
                sem_sh)

        def fire(i):
            pltpu.async_copy(
                buf, out_h.at[pl.ds(base_out + i * (REP * ROW_F), REP * ROW_F)],
                sem)

        def drain_one():
            pltpu.make_async_copy(
                buf, out_h.at[pl.ds(base_out, REP * ROW_F)], sem).wait()

        for i in range(DEPTH):
            fire(i)

        def dma_body(i, carry):
            drain_one()
            fire(i + DEPTH)
            return carry

        lax.fori_loop(0, n_dma_t - DEPTH, dma_body, 0)
        for _ in range(DEPTH):
            drain_one()
        for i in range(n_dma_s):
            pltpu.make_async_copy(
                shbuf, out_h.at[pl.ds(base_sh, SREP * ROW_F)], sem_sh).wait()

    return k(table_flat)


def kernel(timestamps, day_emb, hour_emb, minute_emb, W_int, b_int, gamma, beta):
    B, S = timestamps.shape
    table = _compute_table(day_emb, hour_emb, minute_emb, W_int, b_int,
                           gamma, beta)
    flat = _sc_broadcast(table.reshape(-1))
    return flat.reshape(B, S, D_MODEL)

# --- scband reference (transcript-rebuilt; emitter-appended) ---
"""Pipeline reference for scband-multi-aspect-time-encoder-82497731821913 (READ-ONLY COPY).

The authoritative reference and input builder live on the scoring server;
editing this copy changes nothing except your own understanding.
"""

import jax, jax.numpy as jnp
import numpy as np

D_MODEL = 128
D4 = D_MODEL // 4
INTERVAL_SCALES = jnp.array([1.0/15, 1.0/60, 1.0/150], dtype=jnp.float32)

def setup_inputs(seed: int = 0) -> dict:
    key = jax.random.key(seed)
    ks = jax.random.split(key, 8)
    timestamps = jax.random.randint(ks[0], (4096, 200), 0, 86400, dtype=jnp.int64)
    day_emb = jax.random.normal(ks[1], (7, D4), dtype=jnp.float32)
    hour_emb = jax.random.normal(ks[2], (24, D4), dtype=jnp.float32)
    minute_emb = jax.random.normal(ks[3], (60, D4), dtype=jnp.float32)
    W_int = jax.random.normal(ks[4], (3, D4), dtype=jnp.float32) * (1.0 / np.sqrt(3))
    b_int = jax.random.normal(ks[5], (D4,), dtype=jnp.float32) * 0.01
    gamma = jnp.ones((D_MODEL,), dtype=jnp.float32)
    beta = jnp.zeros((D_MODEL,), dtype=jnp.float32)
    return {"timestamps": timestamps, "day_emb": day_emb, "hour_emb": hour_emb,
            "minute_emb": minute_emb, "W_int": W_int, "b_int": b_int,
            "gamma": gamma, "beta": beta}

def reference(timestamps, day_emb, hour_emb, minute_emb, W_int, b_int, gamma, beta):
    B, S = timestamps.shape
    pos = jnp.broadcast_to(jnp.arange(S, dtype=jnp.int32)[None, :], (B, S))
    days = pos % 7
    hours = pos % 24
    minutes = pos % 60
    d = jnp.take(day_emb, days, axis=0)
    h = jnp.take(hour_emb, hours, axis=0)
    m = jnp.take(minute_emb, minutes, axis=0)
    intervals = jnp.ones((B, S), dtype=jnp.float32).at[:, 0].set(0.0)
    interval_features = intervals[..., None] * INTERVAL_SCALES  # (B, S, 3)
    interval_emb = interval_features @ W_int + b_int
    time_emb = jnp.concatenate([d, h, m, interval_emb], axis=-1)
    mean = jnp.mean(time_emb, axis=-1, keepdims=True)
    var = jnp.var(time_emb, axis=-1, keepdims=True)
    normed = (time_emb - mean) / jnp.sqrt(var + 1e-5)
    return normed * gamma + beta

if __name__ == "__main__":
    import jax
    _d = setup_inputs()
    print(jax.jit(kernel)(*tuple(_d.values())))

</pallas_src>

<mosaic_0001>
#map = affine_map<(d0, d1) -> (0)>
module attributes {stable_mosaic.version = 14 : i64} {
  func.func @k(%arg0: i32, %arg1: i32, %arg2: memref<25600xf32, #tpu.memory_space<hbm>>, %arg3: memref<104857600xf32, #tpu.memory_space<hbm>>, %arg4: memref<102400xf32, #tpu.memory_space<vmem>>, %arg5: memref<409600xf32, #tpu.memory_space<vmem_shared>>, %arg6: memref<!tpu.dma_semaphore, #tpu.memory_space<semaphore_mem>>, %arg7: memref<!tpu.dma_semaphore, #tpu.memory_space<semaphore_mem>>) attributes {dimension_semantics = [#tpu.dimension_semantics<core_parallel>, #tpu.dimension_semantics<subcore_parallel>], iteration_bounds = array<i64: 2, 16>, scalar_prefetch = 0 : i64, scratch_operands = 4 : i64, tpu.core_type = #tpu.core_type<sc_vector_subcore>, window_params = [{transform_indices = #map}, {transform_indices = #map}]} {
    %mul3A = arith.constant 2 : i32
    %mul3A_0 = arith.muli %arg1, %mul3A : i32
    %add3A = arith.addi %mul3A_0, %arg0 : i32
    "tpu.region"() ({
      %run_scoped3A = tpu.sem_alloc : memref<!tpu.dma_semaphore, #tpu.memory_space<semaphore_mem>>
      %dma_start3A_46 = arith.constant 0 : i32
      %dma_start3A_47 = tpu.memref_slice %arg4[%dma_start3A_46] : memref<102400xf32, #tpu.memory_space<vmem>> -> memref<25600xf32, #tpu.memory_space<vmem>>
      %dma_start3A_48 = arith.constant 0 : i32
      %dma_start3A_49 = tpu.memref_slice %arg4[%dma_start3A_48] : memref<102400xf32, #tpu.memory_space<vmem>> -> memref<25600xf32, #tpu.memory_space<vmem>>
      tpu.enqueue_dma source(%arg2 : memref<25600xf32, #tpu.memory_space<hbm>>) target(%dma_start3A_49 : memref<25600xf32, #tpu.memory_space<vmem>>) target_semaphore(%run_scoped3A : memref<!tpu.dma_semaphore, #tpu.memory_space<semaphore_mem>>)
      %dma_wait3A_50 = arith.constant 0 : i32
      %dma_wait3A_51 = tpu.memref_slice %arg4[%dma_wait3A_50] : memref<102400xf32, #tpu.memory_space<vmem>> -> memref<25600xf32, #tpu.memory_space<vmem>>
      %dma_wait3A_52 = arith.constant 0 : i32
      %dma_wait3A_53 = tpu.memref_slice %arg4[%dma_wait3A_52] : memref<102400xf32, #tpu.memory_space<vmem>> -> memref<25600xf32, #tpu.memory_space<vmem>>
      tpu.wait_dma2 semaphore(%run_scoped3A : memref<!tpu.dma_semaphore, #tpu.memory_space<semaphore_mem>>) src(%arg2 : memref<25600xf32, #tpu.memory_space<hbm>>) dst(%dma_wait3A_53 : memref<25600xf32, #tpu.memory_space<vmem>>)
      tpu.yield
    }) : () -> ()
    "tpu.region"() ({
      %run_scoped3A = tpu.sem_alloc : memref<!tpu.dma_semaphore, #tpu.memory_space<semaphore_mem>>
      %dma_start3A_46 = arith.constant 25600 : i32
      %dma_start3A_47 = tpu.memref_slice %arg4[%dma_start3A_46] : memref<102400xf32, #tpu.memory_space<vmem>> -> memref<25600xf32, #tpu.memory_space<vmem>>
      %dma_start3A_48 = arith.constant 25600 : i32
      %dma_start3A_49 = tpu.memref_slice %arg4[%dma_start3A_48] : memref<102400xf32, #tpu.memory_space<vmem>> -> memref<25600xf32, #tpu.memory_space<vmem>>
      tpu.enqueue_dma source(%arg2 : memref<25600xf32, #tpu.memory_space<hbm>>) target(%dma_start3A_49 : memref<25600xf32, #tpu.memory_space<vmem>>) target_semaphore(%run_scoped3A : memref<!tpu.dma_semaphore, #tpu.memory_space<semaphore_mem>>)
      %dma_wait3A_50 = arith.constant 25600 : i32
      %dma_wait3A_51 = tpu.memref_slice %arg4[%dma_wait3A_50] : memref<102400xf32, #tpu.memory_space<vmem>> -> memref<25600xf32, #tpu.memory_space<vmem>>
      %dma_wait3A_52 = arith.constant 25600 : i32
      %dma_wait3A_53 = tpu.memref_slice %arg4[%dma_wait3A_52] : memref<102400xf32, #tpu.memory_space<vmem>> -> memref<25600xf32, #tpu.memory_space<vmem>>
      tpu.wait_dma2 semaphore(%run_scoped3A : memref<!tpu.dma_semaphore, #tpu.memory_space<semaphore_mem>>) src(%arg2 : memref<25600xf32, #tpu.memory_space<hbm>>) dst(%dma_wait3A_53 : memref<25600xf32, #tpu.memory_space<vmem>>)
      tpu.yield
    }) : () -> ()
    "tpu.region"() ({
      %run_scoped3A = tpu.sem_alloc : memref<!tpu.dma_semaphore, #tpu.memory_space<semaphore_mem>>
      %dma_start3A_46 = arith.constant 51200 : i32
      %dma_start3A_47 = tpu.memref_slice %arg4[%dma_start3A_46] : memref<102400xf32, #tpu.memory_space<vmem>> -> memref<25600xf32, #tpu.memory_space<vmem>>
      %dma_start3A_48 = arith.constant 51200 : i32
      %dma_start3A_49 = tpu.memref_slice %arg4[%dma_start3A_48] : memref<102400xf32, #tpu.memory_space<vmem>> -> memref<25600xf32, #tpu.memory_space<vmem>>
      tpu.enqueue_dma source(%arg2 : memref<25600xf32, #tpu.memory_space<hbm>>) target(%dma_start3A_49 : memref<25600xf32, #tpu.memory_space<vmem>>) target_semaphore(%run_scoped3A : memref<!tpu.dma_semaphore, #tpu.memory_space<semaphore_mem>>)
      %dma_wait3A_50 = arith.constant 51200 : i32
      %dma_wait3A_51 = tpu.memref_slice %arg4[%dma_wait3A_50] : memref<102400xf32, #tpu.memory_space<vmem>> -> memref<25600xf32, #tpu.memory_space<vmem>>
      %dma_wait3A_52 = arith.constant 51200 : i32
      %dma_wait3A_53 = tpu.memref_slice %arg4[%dma_wait3A_52] : memref<102400xf32, #tpu.memory_space<vmem>> -> memref<25600xf32, #tpu.memory_space<vmem>>
      tpu.wait_dma2 semaphore(%run_scoped3A : memref<!tpu.dma_semaphore, #tpu.memory_space<semaphore_mem>>) src(%arg2 : memref<25600xf32, #tpu.memory_space<hbm>>) dst(%dma_wait3A_53 : memref<25600xf32, #tpu.memory_space<vmem>>)
      tpu.yield
    }) : () -> ()
    "tpu.region"() ({
      %run_scoped3A = tpu.sem_alloc : memref<!tpu.dma_semaphore, #tpu.memory_space<semaphore_mem>>
      %dma_start3A_46 = arith.constant 76800 : i32
      %dma_start3A_47 = tpu.memref_slice %arg4[%dma_start3A_46] : memref<102400xf32, #tpu.memory_space<vmem>> -> memref<25600xf32, #tpu.memory_space<vmem>>
      %dma_start3A_48 = arith.constant 76800 : i32
      %dma_start3A_49 = tpu.memref_slice %arg4[%dma_start3A_48] : memref<102400xf32, #tpu.memory_space<vmem>> -> memref<25600xf32, #tpu.memory_space<vmem>>
      tpu.enqueue_dma source(%arg2 : memref<25600xf32, #tpu.memory_space<hbm>>) target(%dma_start3A_49 : memref<25600xf32, #tpu.memory_space<vmem>>) target_semaphore(%run_scoped3A : memref<!tpu.dma_semaphore, #tpu.memory_space<semaphore_mem>>)
      %dma_wait3A_50 = arith.constant 76800 : i32
      %dma_wait3A_51 = tpu.memref_slice %arg4[%dma_wait3A_50] : memref<102400xf32, #tpu.memory_space<vmem>> -> memref<25600xf32, #tpu.memory_space<vmem>>
      %dma_wait3A_52 = arith.constant 76800 : i32
      %dma_wait3A_53 = tpu.memref_slice %arg4[%dma_wait3A_52] : memref<102400xf32, #tpu.memory_space<vmem>> -> memref<25600xf32, #tpu.memory_space<vmem>>
      tpu.wait_dma2 semaphore(%run_scoped3A : memref<!tpu.dma_semaphore, #tpu.memory_space<semaphore_mem>>) src(%arg2 : memref<25600xf32, #tpu.memory_space<hbm>>) dst(%dma_wait3A_53 : memref<25600xf32, #tpu.memory_space<vmem>>)
      tpu.yield
    }) : () -> ()
    %mul3A_1 = arith.constant 25600 : i32
    %mul3A_2 = arith.muli %arg1, %mul3A_1 : i32
    "tpu.region"() ({
      %run_scoped3A = tpu.sem_alloc : memref<!tpu.dma_semaphore, #tpu.memory_space<semaphore_mem>>
      %dma_start3A_46 = tpu.memref_slice %arg5[%mul3A_2] : memref<409600xf32, #tpu.memory_space<vmem_shared>> -> memref<25600xf32, #tpu.memory_space<vmem_shared>>
      tpu.enqueue_dma source(%arg2 : memref<25600xf32, #tpu.memory_space<hbm>>) target(%dma_start3A_46 : memref<25600xf32, #tpu.memory_space<vmem_shared>>) target_semaphore(%run_scoped3A : memref<!tpu.dma_semaphore, #tpu.memory_space<semaphore_mem>>)
      %dma_wait3A_47 = tpu.memref_slice %arg5[%mul3A_2] : memref<409600xf32, #tpu.memory_space<vmem_shared>> -> memref<25600xf32, #tpu.memory_space<vmem_shared>>
      tpu.wait_dma2 semaphore(%run_scoped3A : memref<!tpu.dma_semaphore, #tpu.memory_space<semaphore_mem>>) src(%arg2 : memref<25600xf32, #tpu.memory_space<hbm>>) dst(%dma_wait3A_47 : memref<25600xf32, #tpu.memory_space<vmem_shared>>)
      tpu.yield
    }) : () -> ()
    %barrier3A = arith.constant 0 : index
    tpu.barrier barrier_id(%barrier3A)
    %mul3A_3 = arith.constant 3276800 : i32
    %mul3A_4 = arith.muli %add3A, %mul3A_3 : i32
    %add3A_5 = arith.constant 2048000 : i32
    %add3A_6 = arith.addi %mul3A_4, %add3A_5 : i32
    %add3A_7 = arith.constant 0 : i32
    %add3A_8 = arith.addi %add3A_6, %add3A_7 : i32
    %dma_start3A = tpu.memref_slice %arg3[%add3A_8] : memref<104857600xf32, #tpu.memory_space<hbm>> -> memref<409600xf32, #tpu.memory_space<hbm>>
    tpu.enqueue_dma source(%arg5 : memref<409600xf32, #tpu.memory_space<vmem_shared>>) target(%dma_start3A : memref<409600xf32, #tpu.memory_space<hbm>>) target_semaphore(%arg7 : memref<!tpu.dma_semaphore, #tpu.memory_space<semaphore_mem>>)
    %add3A_9 = arith.constant 409600 : i32
    %add3A_10 = arith.addi %add3A_6, %add3A_9 : i32
    %dma_start3A_11 = tpu.memref_slice %arg3[%add3A_10] : memref<104857600xf32, #tpu.memory_space<hbm>> -> memref<409600xf32, #tpu.memory_space<hbm>>
    tpu.enqueue_dma source(%arg5 : memref<409600xf32, #tpu.memory_space<vmem_shared>>) target(%dma_start3A_11 : memref<409600xf32, #tpu.memory_space<hbm>>) target_semaphore(%arg7 : memref<!tpu.dma_semaphore, #tpu.memory_space<semaphore_mem>>)
    %add3A_12 = arith.constant 819200 : i32
    %add3A_13 = arith.addi %add3A_6, %add3A_12 : i32
    %dma_start3A_14 = tpu.memref_slice %arg3[%add3A_13] : memref<104857600xf32, #tpu.memory_space<hbm>> -> memref<409600xf32, #tpu.memory_space<hbm>>
    tpu.enqueue_dma source(%arg5 : memref<409600xf32, #tpu.memory_space<vmem_shared>>) target(%dma_start3A_14 : memref<409600xf32, #tpu.memory_space<hbm>>) target_semaphore(%arg7 : memref<!tpu.dma_semaphore, #tpu.memory_space<semaphore_mem>>)
    %add3A_15 = arith.constant 0 : i32
    %add3A_16 = arith.addi %mul3A_4, %add3A_15 : i32
    %dma_start3A_17 = tpu.memref_slice %arg3[%add3A_16] : memref<104857600xf32, #tpu.memory_space<hbm>> -> memref<102400xf32, #tpu.memory_space<hbm>>
    %dma_start3A_18 = tpu.memref_slice %arg3[%add3A_16] : memref<104857600xf32, #tpu.memory_space<hbm>> -> memref<102400xf32, #tpu.memory_space<hbm>>
    tpu.enqueue_dma source(%arg4 : memref<102400xf32, #tpu.memory_space<vmem>>) target(%dma_start3A_18 : memref<102400xf32, #tpu.memory_space<hbm>>) target_semaphore(%arg6 : memref<!tpu.dma_semaphore, #tpu.memory_space<semaphore_mem>>)
    %add3A_19 = arith.constant 102400 : i32
    %add3A_20 = arith.addi %mul3A_4, %add3A_19 : i32
    %dma_start3A_21 = tpu.memref_slice %arg3[%add3A_20] : memref<104857600xf32, #tpu.memory_space<hbm>> -> memref<102400xf32, #tpu.memory_space<hbm>>
    %dma_start3A_22 = tpu.memref_slice %arg3[%add3A_20] : memref<104857600xf32, #tpu.memory_space<hbm>> -> memref<102400xf32, #tpu.memory_space<hbm>>
    tpu.enqueue_dma source(%arg4 : memref<102400xf32, #tpu.memory_space<vmem>>) target(%dma_start3A_22 : memref<102400xf32, #tpu.memory_space<hbm>>) target_semaphore(%arg6 : memref<!tpu.dma_semaphore, #tpu.memory_space<semaphore_mem>>)
    %add3A_23 = arith.constant 204800 : i32
    %add3A_24 = arith.addi %mul3A_4, %add3A_23 : i32
    %dma_start3A_25 = tpu.memref_slice %arg3[%add3A_24] : memref<104857600xf32, #tpu.memory_space<hbm>> -> memref<102400xf32, #tpu.memory_space<hbm>>
    %dma_start3A_26 = tpu.memref_slice %arg3[%add3A_24] : memref<104857600xf32, #tpu.memory_space<hbm>> -> memref<102400xf32, #tpu.memory_space<hbm>>
    tpu.enqueue_dma source(%arg4 : memref<102400xf32, #tpu.memory_space<vmem>>) target(%dma_start3A_26 : memref<102400xf32, #tpu.memory_space<hbm>>) target_semaphore(%arg6 : memref<!tpu.dma_semaphore, #tpu.memory_space<semaphore_mem>>)
    %add3A_27 = arith.constant 307200 : i32
    %add3A_28 = arith.addi %mul3A_4, %add3A_27 : i32
    %dma_start3A_29 = tpu.memref_slice %arg3[%add3A_28] : memref<104857600xf32, #tpu.memory_space<hbm>> -> memref<102400xf32, #tpu.memory_space<hbm>>
    %dma_start3A_30 = tpu.memref_slice %arg3[%add3A_28] : memref<104857600xf32, #tpu.memory_space<hbm>> -> memref<102400xf32, #tpu.memory_space<hbm>>
    tpu.enqueue_dma source(%arg4 : memref<102400xf32, #tpu.memory_space<vmem>>) target(%dma_start3A_30 : memref<102400xf32, #tpu.memory_space<hbm>>) target_semaphore(%arg6 : memref<!tpu.dma_semaphore, #tpu.memory_space<semaphore_mem>>)
    %scan3A = arith.constant 0 : i32
    %scan3A_31 = arith.constant 0 : i32
    %scan3A_32 = arith.constant 16 : i32
    %scan3A_33 = arith.addi %scan3A_31, %scan3A_32 : i32
    %scan3A_34 = arith.constant 1 : i32
    scf.for %scan3A_46 = %scan3A_31 to %scan3A_33 step %scan3A_34  : i32 {
      %dma_wait3A_47 = tpu.memref_slice %arg3[%mul3A_4] : memref<104857600xf32, #tpu.memory_space<hbm>> -> memref<102400xf32, #tpu.memory_space<hbm>>
      %dma_wait3A_48 = tpu.memref_slice %arg3[%mul3A_4] : memref<104857600xf32, #tpu.memory_space<hbm>> -> memref<102400xf32, #tpu.memory_space<hbm>>
      tpu.wait_dma2 semaphore(%arg6 : memref<!tpu.dma_semaphore, #tpu.memory_space<semaphore_mem>>) src(%arg4 : memref<102400xf32, #tpu.memory_space<vmem>>) dst(%dma_wait3A_48 : memref<102400xf32, #tpu.memory_space<hbm>>)
      %add3A_49 = arith.constant 4 : i32
      %add3A_50 = arith.addi %scan3A_46, %add3A_49 : i32
      %mul3A_51 = arith.constant 102400 : i32
      %mul3A_52 = arith.muli %add3A_50, %mul3A_51 : i32
      %add3A_53 = arith.addi %mul3A_4, %mul3A_52 : i32
      %dma_start3A_54 = tpu.memref_slice %arg3[%add3A_53] : memref<104857600xf32, #tpu.memory_space<hbm>> -> memref<102400xf32, #tpu.memory_space<hbm>>
      %dma_start3A_55 = tpu.memref_slice %arg3[%add3A_53] : memref<104857600xf32, #tpu.memory_space<hbm>> -> memref<102400xf32, #tpu.memory_space<hbm>>
      tpu.enqueue_dma source(%arg4 : memref<102400xf32, #tpu.memory_space<vmem>>) target(%dma_start3A_55 : memref<102400xf32, #tpu.memory_space<hbm>>) target_semaphore(%arg6 : memref<!tpu.dma_semaphore, #tpu.memory_space<semaphore_mem>>)
    }
    %scan3A_35 = arith.constant 16 : i32
    %dma_wait3A = tpu.memref_slice %arg3[%mul3A_4] : memref<104857600xf32, #tpu.memory_space<hbm>> -> memref<102400xf32, #tpu.memory_space<hbm>>
    %dma_wait3A_36 = tpu.memref_slice %arg3[%mul3A_4] : memref<104857600xf32, #tpu.memory_space<hbm>> -> memref<102400xf32, #tpu.memory_space<hbm>>
    tpu.wait_dma2 semaphore(%arg6 : memref<!tpu.dma_semaphore, #tpu.memory_space<semaphore_mem>>) src(%arg4 : memref<102400xf32, #tpu.memory_space<vmem>>) dst(%dma_wait3A_36 : memref<102400xf32, #tpu.memory_space<hbm>>)
    %dma_wait3A_37 = tpu.memref_slice %arg3[%mul3A_4] : memref<104857600xf32, #tpu.memory_space<hbm>> -> memref<102400xf32, #tpu.memory_space<hbm>>
    %dma_wait3A_38 = tpu.memref_slice %arg3[%mul3A_4] : memref<104857600xf32, #tpu.memory_space<hbm>> -> memref<102400xf32, #tpu.memory_space<hbm>>
    tpu.wait_dma2 semaphore(%arg6 : memref<!tpu.dma_semaphore, #tpu.memory_space<semaphore_mem>>) src(%arg4 : memref<102400xf32, #tpu.memory_space<vmem>>) dst(%dma_wait3A_38 : memref<102400xf32, #tpu.memory_space<hbm>>)
    %dma_wait3A_39 = tpu.memref_slice %arg3[%mul3A_4] : memref<104857600xf32, #tpu.memory_space<hbm>> -> memref<102400xf32, #tpu.memory_space<hbm>>
    %dma_wait3A_40 = tpu.memref_slice %arg3[%mul3A_4] : memref<104857600xf32, #tpu.memory_space<hbm>> -> memref<102400xf32, #tpu.memory_space<hbm>>
    tpu.wait_dma2 semaphore(%arg6 : memref<!tpu.dma_semaphore, #tpu.memory_space<semaphore_mem>>) src(%arg4 : memref<102400xf32, #tpu.memory_space<vmem>>) dst(%dma_wait3A_40 : memref<102400xf32, #tpu.memory_space<hbm>>)
    %dma_wait3A_41 = tpu.memref_slice %arg3[%mul3A_4] : memref<104857600xf32, #tpu.memory_space<hbm>> -> memref<102400xf32, #tpu.memory_space<hbm>>
    %dma_wait3A_42 = tpu.memref_slice %arg3[%mul3A_4] : memref<104857600xf32, #tpu.memory_space<hbm>> -> memref<102400xf32, #tpu.memory_space<hbm>>
    tpu.wait_dma2 semaphore(%arg6 : memref<!tpu.dma_semaphore, #tpu.memory_space<semaphore_mem>>) src(%arg4 : memref<102400xf32, #tpu.memory_space<vmem>>) dst(%dma_wait3A_42 : memref<102400xf32, #tpu.memory_space<hbm>>)
    %dma_wait3A_43 = tpu.memref_slice %arg3[%add3A_6] : memref<104857600xf32, #tpu.memory_space<hbm>> -> memref<409600xf32, #tpu.memory_space<hbm>>
    tpu.wait_dma2 semaphore(%arg7 : memref<!tpu.dma_semaphore, #tpu.memory_space<semaphore_mem>>) src(%arg5 : memref<409600xf32, #tpu.memory_space<vmem_shared>>) dst(%dma_wait3A_43 : memref<409600xf32, #tpu.memory_space<hbm>>)
    %dma_wait3A_44 = tpu.memref_slice %arg3[%add3A_6] : memref<104857600xf32, #tpu.memory_space<hbm>> -> memref<409600xf32, #tpu.memory_space<hbm>>
    tpu.wait_dma2 semaphore(%arg7 : memref<!tpu.dma_semaphore, #tpu.memory_space<semaphore_mem>>) src(%arg5 : memref<409600xf32, #tpu.memory_space<vmem_shared>>) dst(%dma_wait3A_44 : memref<409600xf32, #tpu.memory_space<hbm>>)
    %dma_wait3A_45 = tpu.memref_slice %arg3[%add3A_6] : memref<104857600xf32, #tpu.memory_space<hbm>> -> memref<409600xf32, #tpu.memory_space<hbm>>
    tpu.wait_dma2 semaphore(%arg7 : memref<!tpu.dma_semaphore, #tpu.memory_space<semaphore_mem>>) src(%arg5 : memref<409600xf32, #tpu.memory_space<vmem_shared>>) dst(%dma_wait3A_45 : memref<409600xf32, #tpu.memory_space<hbm>>)
    return
  }
}

module attributes {stable_mosaic.version = 14 : i64} {
  func.func @_table_body(%arg0: memref<96x128xf32, #tpu.memory_space<vmem>>, %arg1: memref<1x128xf32, #tpu.memory_space<vmem>>, %arg2: memref<1x128xf32, #tpu.memory_space<vmem>>, %arg3: memref<200x128xf32, #tpu.memory_space<vmem>>) attributes {dimension_semantics = [], scalar_prefetch = 0 : i64, scratch_operands = 0 : i64, tpu.core_type = #tpu.core_type<tc>} {
    %iota3A = tpu.iota {dimensions = array<i32: 0>} : vector<200x96xi32>
    %iota3A_0 = tpu.iota {dimensions = array<i32: 1>} : vector<200x96xi32>
    %jit3A = arith.constant 7 : i32
    %eq3A = arith.constant 0 : i32
    %eq3A_1 = arith.cmpi eq, %jit3A, %eq3A : i32
    %jit3A_2 = arith.constant 1 : i32
    %select_n3A = arith.select %eq3A_1, %jit3A_2, %jit3A : i32
    %rem3A = vector.broadcast %select_n3A : i32 to vector<200x96xi32>
    %rem3A_3 = arith.remsi %iota3A, %rem3A : vector<200x96xi32>
    %ne3A = arith.constant 0 : i32
    %ne3A_4 = vector.broadcast %ne3A : i32 to vector<200x96xi32>
    %ne3A_5 = arith.cmpi ne, %rem3A_3, %ne3A_4 : vector<200x96xi32>
    %lt3A = arith.constant 0 : i32
    %lt3A_6 = vector.broadcast %lt3A : i32 to vector<200x96xi32>
    %lt3A_7 = arith.cmpi slt, %rem3A_3, %lt3A_6 : vector<200x96xi32>
    %lt3A_8 = arith.constant 0 : i32
    %lt3A_9 = arith.cmpi slt, %select_n3A, %lt3A_8 : i32
    %ne3A_10 = vector.broadcast %lt3A_9 : i1 to vector<200x96xi1>
    %ne3A_11 = vector.broadcast %ne3A_10 : vector<200x96xi1> to vector<200x96xi1>
    %ne3A_12 = arith.xori %lt3A_7, %ne3A_11 : vector<200x96xi1>
    %and3A = arith.andi %ne3A_12, %ne3A_5 : vector<200x96xi1>
    %add3A = vector.broadcast %select_n3A : i32 to vector<200x96xi32>
    %add3A_13 = arith.addi %rem3A_3, %add3A : vector<200x96xi32>
    %select_n3A_14 = arith.select %and3A, %add3A_13, %rem3A_3 : vector<200x96xi1>, vector<200x96xi32>
    %eq3A_15 = arith.cmpi eq, %iota3A_0, %select_n3A_14 : vector<200x96xi32>
    %lt3A_16 = arith.constant 7 : i32
    %lt3A_17 = vector.broadcast %lt3A_16 : i32 to vector<200x96xi32>
    %lt3A_18 = arith.cmpi slt, %iota3A_0, %lt3A_17 : vector<200x96xi32>
    %and3A_19 = arith.andi %eq3A_15, %lt3A_18 : vector<200x96xi1>
    %sub3A = arith.constant 7 : i32
    %sub3A_20 = vector.broadcast %sub3A : i32 to vector<200x96xi32>
    %sub3A_21 = arith.subi %iota3A_0, %sub3A_20 : vector<200x96xi32>
    %jit3A_22 = arith.constant 24 : i32
    %eq3A_23 = arith.constant 0 : i32
    %eq3A_24 = arith.cmpi eq, %jit3A_22, %eq3A_23 : i32
    %jit3A_25 = arith.constant 1 : i32
    %select_n3A_26 = arith.select %eq3A_24, %jit3A_25, %jit3A_22 : i32
    %rem3A_27 = vector.broadcast %select_n3A_26 : i32 to vector<200x96xi32>
    %rem3A_28 = arith.remsi %iota3A, %rem3A_27 : vector<200x96xi32>
    %ne3A_29 = arith.constant 0 : i32
    %ne3A_30 = vector.broadcast %ne3A_29 : i32 to vector<200x96xi32>
    %ne3A_31 = arith.cmpi ne, %rem3A_28, %ne3A_30 : vector<200x96xi32>
    %lt3A_32 = arith.constant 0 : i32
    %lt3A_33 = vector.broadcast %lt3A_32 : i32 to vector<200x96xi32>
    %lt3A_34 = arith.cmpi slt, %rem3A_28, %lt3A_33 : vector<200x96xi32>
    %lt3A_35 = arith.constant 0 : i32
    %lt3A_36 = arith.cmpi slt, %select_n3A_26, %lt3A_35 : i32
    %ne3A_37 = vector.broadcast %lt3A_36 : i1 to vector<200x96xi1>
    %ne3A_38 = vector.broadcast %ne3A_37 : vector<200x96xi1> to vector<200x96xi1>
    %ne3A_39 = arith.xori %lt3A_34, %ne3A_38 : vector<200x96xi1>
    %and3A_40 = arith.andi %ne3A_39, %ne3A_31 : vector<200x96xi1>
    %add3A_41 = vector.broadcast %select_n3A_26 : i32 to vector<200x96xi32>
    %add3A_42 = arith.addi %rem3A_28, %add3A_41 : vector<200x96xi32>
    %select_n3A_43 = arith.select %and3A_40, %add3A_42, %rem3A_28 : vector<200x96xi1>, vector<200x96xi32>
    %eq3A_44 = arith.cmpi eq, %sub3A_21, %select_n3A_43 : vector<200x96xi32>
    %ge3A = arith.constant 7 : i32
    %ge3A_45 = vector.broadcast %ge3A : i32 to vector<200x96xi32>
    %ge3A_46 = arith.cmpi sge, %iota3A_0, %ge3A_45 : vector<200x96xi32>
    %and3A_47 = arith.andi %eq3A_44, %ge3A_46 : vector<200x96xi1>
    %lt3A_48 = arith.constant 31 : i32
    %lt3A_49 = vector.broadcast %lt3A_48 : i32 to vector<200x96xi32>
    %lt3A_50 = arith.cmpi slt, %iota3A_0, %lt3A_49 : vector<200x96xi32>
    %and3A_51 = arith.andi %and3A_47, %lt3A_50 : vector<200x96xi1>
    %sub3A_52 = arith.constant 31 : i32
    %sub3A_53 = vector.broadcast %sub3A_52 : i32 to vector<200x96xi32>
    %sub3A_54 = arith.subi %iota3A_0, %sub3A_53 : vector<200x96xi32>
    %jit3A_55 = arith.constant 60 : i32
    %eq3A_56 = arith.constant 0 : i32
    %eq3A_57 = arith.cmpi eq, %jit3A_55, %eq3A_56 : i32
    %jit3A_58 = arith.constant 1 : i32
    %select_n3A_59 = arith.select %eq3A_57, %jit3A_58, %jit3A_55 : i32
    %rem3A_60 = vector.broadcast %select_n3A_59 : i32 to vector<200x96xi32>
    %rem3A_61 = arith.remsi %iota3A, %rem3A_60 : vector<200x96xi32>
    %ne3A_62 = arith.constant 0 : i32
    %ne3A_63 = vector.broadcast %ne3A_62 : i32 to vector<200x96xi32>
    %ne3A_64 = arith.cmpi ne, %rem3A_61, %ne3A_63 : vector<200x96xi32>
    %lt3A_65 = arith.constant 0 : i32
    %lt3A_66 = vector.broadcast %lt3A_65 : i32 to vector<200x96xi32>
    %lt3A_67 = arith.cmpi slt, %rem3A_61, %lt3A_66 : vector<200x96xi32>
    %lt3A_68 = arith.constant 0 : i32
    %lt3A_69 = arith.cmpi slt, %select_n3A_59, %lt3A_68 : i32
    %ne3A_70 = vector.broadcast %lt3A_69 : i1 to vector<200x96xi1>
    %ne3A_71 = vector.broadcast %ne3A_70 : vector<200x96xi1> to vector<200x96xi1>
    %ne3A_72 = arith.xori %lt3A_67, %ne3A_71 : vector<200x96xi1>
    %and3A_73 = arith.andi %ne3A_72, %ne3A_64 : vector<200x96xi1>
    %add3A_74 = vector.broadcast %select_n3A_59 : i32 to vector<200x96xi32>
    %add3A_75 = arith.addi %rem3A_61, %add3A_74 : vector<200x96xi32>
    %select_n3A_76 = arith.select %and3A_73, %add3A_75, %rem3A_61 : vector<200x96xi1>, vector<200x96xi32>
    %eq3A_77 = arith.cmpi eq, %sub3A_54, %select_n3A_76 : vector<200x96xi32>
    %ge3A_78 = arith.constant 31 : i32
    %ge3A_79 = vector.broadcast %ge3A_78 : i32 to vector<200x96xi32>
    %ge3A_80 = arith.cmpi sge, %iota3A_0, %ge3A_79 : vector<200x96xi32>
    %and3A_81 = arith.andi %eq3A_77, %ge3A_80 : vector<200x96xi1>
    %lt3A_82 = arith.constant 91 : i32
    %lt3A_83 = vector.broadcast %lt3A_82 : i32 to vector<200x96xi32>
    %lt3A_84 = arith.cmpi slt, %iota3A_0, %lt3A_83 : vector<200x96xi32>
    %and3A_85 = arith.andi %and3A_81, %lt3A_84 : vector<200x96xi1>
    %or3A = arith.ori %and3A_19, %and3A_51 : vector<200x96xi1>
    %or3A_86 = arith.ori %or3A, %and3A_85 : vector<200x96xi1>
    %convert_element_type3A = arith.extui %or3A_86 : vector<200x96xi1> to vector<200x96xi32>
    %convert_element_type3A_87 = arith.sitofp %convert_element_type3A : vector<200x96xi32> to vector<200x96xf32>
    %eq3A_88 = arith.constant 91 : i32
    %eq3A_89 = vector.broadcast %eq3A_88 : i32 to vector<200x96xi32>
    %eq3A_90 = arith.cmpi eq, %iota3A_0, %eq3A_89 : vector<200x96xi32>
    %eq3A_91 = arith.constant 92 : i32
    %eq3A_92 = vector.broadcast %eq3A_91 : i32 to vector<200x96xi32>
    %eq3A_93 = arith.cmpi eq, %iota3A_0, %eq3A_92 : vector<200x96xi32>
    %eq3A_94 = arith.constant 93 : i32
    %eq3A_95 = vector.broadcast %eq3A_94 : i32 to vector<200x96xi32>
    %eq3A_96 = arith.cmpi eq, %iota3A_0, %eq3A_95 : vector<200x96xi32>
    %jit3A_97 = arith.constant 0.00666666683 : f32
    %jit3A_98 = arith.constant 0.000000e+00 : f32
    %broadcast_in_dim3A = vector.broadcast %jit3A_97 : f32 to vector<200x96xf32>
    %broadcast_in_dim3A_99 = vector.broadcast %jit3A_98 : f32 to vector<200x96xf32>
    %select_n3A_100 = arith.select %eq3A_96, %broadcast_in_dim3A, %broadcast_in_dim3A_99 : vector<200x96xi1>, vector<200x96xf32>
    %jit3A_101 = arith.constant 0.0166666675 : f32
    %broadcast_in_dim3A_102 = vector.broadcast %jit3A_101 : f32 to vector<200x96xf32>
    %select_n3A_103 = arith.select %eq3A_93, %broadcast_in_dim3A_102, %select_n3A_100 : vector<200x96xi1>, vector<200x96xf32>
    %jit3A_104 = arith.constant 0.0666666701 : f32
    %broadcast_in_dim3A_105 = vector.broadcast %jit3A_104 : f32 to vector<200x96xf32>
    %select_n3A_106 = arith.select %eq3A_90, %broadcast_in_dim3A_105, %select_n3A_103 : vector<200x96xi1>, vector<200x96xf32>
    %eq3A_107 = arith.constant 0 : i32
    %eq3A_108 = vector.broadcast %eq3A_107 : i32 to vector<200x96xi32>
    %eq3A_109 = arith.cmpi eq, %iota3A, %eq3A_108 : vector<200x96xi32>
    %jit3A_110 = arith.constant 0.000000e+00 : f32
    %broadcast_in_dim3A_111 = vector.broadcast %jit3A_110 : f32 to vector<200x96xf32>
    %select_n3A_112 = arith.select %eq3A_109, %broadcast_in_dim3A_111, %select_n3A_106 : vector<200x96xi1>, vector<200x96xf32>
    %ge3A_113 = arith.constant 91 : i32
    %ge3A_114 = vector.broadcast %ge3A_113 : i32 to vector<200x96xi32>
    %ge3A_115 = arith.cmpi sge, %iota3A_0, %ge3A_114 : vector<200x96xi32>
    %lt3A_116 = arith.constant 94 : i32
    %lt3A_117 = vector.broadcast %lt3A_116 : i32 to vector<200x96xi32>
    %lt3A_118 = arith.cmpi slt, %iota3A_0, %lt3A_117 : vector<200x96xi32>
    %and3A_119 = arith.andi %ge3A_115, %lt3A_118 : vector<200x96xi1>
    %convert_element_type3A_120 = arith.extui %and3A_119 : vector<200x96xi1> to vector<200x96xi32>
    %convert_element_type3A_121 = arith.sitofp %convert_element_type3A_120 : vector<200x96xi32> to vector<200x96xf32>
    %mul3A = arith.mulf %select_n3A_112, %convert_element_type3A_121 : vector<200x96xf32>
    %eq3A_122 = arith.constant 94 : i32
    %eq3A_123 = vector.broadcast %eq3A_122 : i32 to vector<200x96xi32>
    %eq3A_124 = arith.cmpi eq, %iota3A_0, %eq3A_123 : vector<200x96xi32>
    %convert_element_type3A_125 = arith.extui %eq3A_124 : vector<200x96xi1> to vector<200x96xi32>
    %convert_element_type3A_126 = arith.sitofp %convert_element_type3A_125 : vector<200x96xi32> to vector<200x96xf32>
    %add3A_127 = arith.addf %convert_element_type3A_87, %mul3A : vector<200x96xf32>
    %add3A_128 = arith.addf %add3A_127, %convert_element_type3A_126 : vector<200x96xf32>
    %get3A = arith.constant 0 : index
    %get3A_129 = arith.constant 0 : index
    %get3A_130 = vector.load %arg0[%get3A, %get3A_129] : memref<96x128xf32, #tpu.memory_space<vmem>>, vector<96x128xf32>
    %dot_general3A = arith.constant dense<0.000000e+00> : vector<200x128xf32>
    %dot_general3A_131 = tpu.matmul %add3A_128, %get3A_130, %dot_general3A {dimension_numbers = #tpu.dot_dimension_numbers<[1], [0], [0], [1], [0, 0, 1, 1], [], []>, transpose_lhs_hint = false} : vector<200x96xf32>, vector<96x128xf32>, vector<200x128xf32> -> vector<200x128xf32>
    %reduce_sum3A = arith.constant dense<0.000000e+00> : vector<200xf32>
    %reduce_sum3A_132 = vector.multi_reduction <add>, %dot_general3A_131, %reduce_sum3A [1] : vector<200x128xf32> to vector<200xf32>
    %broadcast_in_dim3A_133 = vector.shape_cast %reduce_sum3A_132 : vector<200xf32> to vector<200x1xf32>
    %div3A = arith.constant 1.280000e+02 : f32
    %div3A_134 = vector.broadcast %div3A : f32 to vector<200x1xf32>
    %div3A_135 = arith.divf %broadcast_in_dim3A_133, %div3A_134 : vector<200x1xf32>
    %sub3A_136 = vector.broadcast %div3A_135 : vector<200x1xf32> to vector<200x128xf32>
    %sub3A_137 = arith.subf %dot_general3A_131, %sub3A_136 : vector<200x128xf32>
    %mul3A_138 = arith.mulf %sub3A_137, %sub3A_137 : vector<200x128xf32>
    %reduce_sum3A_139 = arith.constant dense<0.000000e+00> : vector<200xf32>
    %reduce_sum3A_140 = vector.multi_reduction <add>, %mul3A_138, %reduce_sum3A_139 [1] : vector<200x128xf32> to vector<200xf32>
    %broadcast_in_dim3A_141 = vector.shape_cast %reduce_sum3A_140 : vector<200xf32> to vector<200x1xf32>
    %div3A_142 = arith.constant 1.280000e+02 : f32
    %div3A_143 = vector.broadcast %div3A_142 : f32 to vector<200x1xf32>
    %div3A_144 = arith.divf %broadcast_in_dim3A_141, %div3A_143 : vector<200x1xf32>
    %add3A_145 = arith.constant 9.99999974E-6 : f32
    %add3A_146 = vector.broadcast %add3A_145 : f32 to vector<200x1xf32>
    %add3A_147 = arith.addf %div3A_144, %add3A_146 : vector<200x1xf32>
    %rsqrt3A = math.rsqrt %add3A_147 : vector<200x1xf32>
    %mul3A_148 = vector.broadcast %rsqrt3A : vector<200x1xf32> to vector<200x128xf32>
    %mul3A_149 = arith.mulf %sub3A_137, %mul3A_148 : vector<200x128xf32>
    %get3A_150 = arith.constant 0 : index
    %get3A_151 = arith.constant 0 : index
    %get3A_152 = vector.load %arg1[%get3A_150, %get3A_151] : memref<1x128xf32, #tpu.memory_space<vmem>>, vector<1x128xf32>
    %mul3A_153 = vector.broadcast %get3A_152 : vector<1x128xf32> to vector<200x128xf32>
    %mul3A_154 = arith.mulf %mul3A_149, %mul3A_153 : vector<200x128xf32>
    %get3A_155 = arith.constant 0 : index
    %get3A_156 = arith.constant 0 : index
    %get3A_157 = vector.load %arg2[%get3A_155, %get3A_156] : memref<1x128xf32, #tpu.memory_space<vmem>>, vector<1x128xf32>
    %add3A_158 = vector.broadcast %get3A_157 : vector<1x128xf32> to vector<200x128xf32>
    %add3A_159 = arith.addf %mul3A_154, %add3A_158 : vector<200x128xf32>
    %swap3A = arith.constant 0 : index
    %swap3A_160 = arith.constant 0 : index
    %swap3A_161 = vector.load %arg3[%swap3A, %swap3A_160] : memref<200x128xf32, #tpu.memory_space<vmem>>, vector<200x128xf32>
    tpu.vector_store %arg3[%swap3A, %swap3A_160], %add3A_159 {strides = array<i32>} : memref<200x128xf32, #tpu.memory_space<vmem>>, vector<200x128xf32>,
    return
  }
}

</mosaic_0001>

<sc_bundles>
// kernel: kernel.4.cloned.1.call-start
scs
__scs_entry_jumppad:
0x0: {  	(pc) =	sbr.rel $0x88, $3  }
0x1: {  	(tag) =	ssettag $0x0;
	lr =	simm.s32 $0x1  }
0x2: {  	[smem:$0x3F9A] =	sst lr;
	_ =	strace $0xD0000000  }
0x3: {  	_ = 	snop  }
0x4: {  	_ = 	snop  }
0x5: {  	_ = 	snop  }
0x6: {  	_ = 	snop  }
0x7: {  	_ = 	snop  }
__scs_overlays_trampoline_lowered:
0x8: {  	[smem:$0x3FA9] =	sst s0  }
0x9: {  	[smem:$0x3FAA] =	sst s1  }
0xa: {  	[smem:$0x3FAB] =	sst s2  }
0xb: {  	[smem:$0x3FAC] =	sst s3  }
0xc: {  	[smem:$0x3FAD] =	sst s4  }
0xd: {  	[smem:$0x3FAE] =	sst s5  }
0xe: {  	[smem:$0x3FAF] =	sst s6  }
0xf: {  	[smem:$0x3FB0] =	sst s7  }
0x10: {  	[smem:$0x3FB1] =	sst s8  }
0x11: {  	[smem:$0x3FB2] =	sst s9;
	s0 =	simm.s32 @!p0 $0x0  }
0x12: {  	s1 =	sld [smem:$0x3F98];
	s0 =	simm.s32 @p0 $0x1  }
0x13: {  	[smem:$0x3FB3] =	sst s0;
	s0 =	simm.s32 @!p1 $0x0  }
0x14: {  	s2 =	sld [smem:$0x3F97];
	s0 =	simm.s32 @p1 $0x1  }
0x15: {  	[smem:$0x3FB4] =	sst s0;
	s0 =	simm.s32 @!p2 $0x0  }
0x16: {  	s3 =	sld [smem:$0x3FDB];
	s0 =	simm.s32 @p2 $0x1  }
0x17: {  	s4 =	simm.s32 $0x1BF5;
	[smem:$0x3FB6] =	sst s0  }
0x18: {  	s0 =	sld [smem:$0x3F99];
	_ =	swait.ge [sflag:s4], $0x0  }
0x19: {  	s7 =	sld [smem:$0x3F9A]  }
0x1a: {  	s8 =	sadd.s32 $0xFFFFE003, lr  }
0x1b: {  	s9 =	sadd.s32 $0xFFFFFEF7, lr;
	s5 =	simm.s32 $0xFFFFFFFF;
	p2 =	slt.u32 s8, $0xFFFFF086  }
0x1c: {  	p1 =	slt.u32 s9, $0xF7A;
	s5 =	simm.s32 @!p2 $0x0  }
0x1d: {  	s5 =	simm.s32 @p1 $0x1;
	p0 =	seq.s32 s7, s2  }
0x1e: {  	s7 =	smul.u32 @!p0 $0xF7A, s2;
	p2 =	seq.s32 @!p0 s5, $0x0  }
0x1f: {  	s9 =	smul.u32 $0xF7A, s1;
	s8 =	simm.s32 @!p0 $0x1BF5;
	p2 =	por !p2, p0  }
0x20: {  	[sflag:s8] =	ssyncset.s32 @!p0 $0xFFFFF086;
	s6 =	sadd.s32 @!p0 s3, s7;
	s7 =	simm.s32 @!p0 $0x108  }
0x21: {  	s3 =	sadd.s32 s3, s9;
	s6 =	sadd.s32 @!p0 $0x88, s6;
	s7 =	simm.s32 @p2 $0x1082  }
0x22: {  	[simem:s7], [sflag:s8] =	dma.local @!p0 [hbm:s6], $0xF7A  }
0x23: {  	s9 =	sor.u32 $0xD0000000, s2;
	s6 =	simm.s32 $0x108;
	_ =	swait.ge @!p0 [sflag:s8], $0x0  }
0x24: {  	s3 =	sadd.s32 $0x88, s3;
	s6 =	simm.s32 @!p1 $0x1082;
	[sflag:s4] =	ssyncset.s32 $0xFFFFF086  }
0x25: {  	[simem:s6], [sflag:s4] =	dma.local [hbm:s3], $0xF7A  }
0x26: {  	[smem:$0x3F9A] =	sst s1;
	(tag) =	ssettag s2;
	_ =	strace s9  }
0x27: {  	s1 =	sld [smem:$0x3FAA]  }
0x28: {  	s2 =	sld [smem:$0x3FAB]  }
0x29: {  	s4 =	sld [smem:$0x3FAD]  }
0x2a: {  	p0 =	seq.s32 s5, $0x0;
	s5 =	sld [smem:$0x3FAE]  }
0x2b: {  	s6 =	sld [smem:$0x3FAF]  }
0x2c: {  	s7 =	sld [smem:$0x3FB0]  }
0x2d: {  	s3 =	simm.s32 $0x108;
	s8 =	sld [smem:$0x3FB1]  }
0x2e: {  	s3 =	simm.s32 @!p0 $0x1082;
	s9 =	sld [smem:$0x3FB2]  }
0x2f: {  	lr =	sadd.s32 s0, s3;
	s0 =	sld [smem:$0x3FA9]  }
0x30: {  	s3 =	sld [smem:$0x3FAC]  }
0x31: {  	[smem:$0x3FB5] =	sst s10  }
0x32: {  	s10 =	sld [smem:$0x3FB3];
	_ =	sdelay $0x3  }
0x33: {  	p0 =	seq.s32 s10, $0x1;
	s10 =	sld [smem:$0x3FB5];
	_ =	sdelay $0x3  }
0x34: {  	[smem:$0x3FB5] =	sst s10  }
0x35: {  	s10 =	sld [smem:$0x3FB4];
	_ =	sdelay $0x3  }
0x36: {  	p1 =	seq.s32 s10, $0x1;
	s10 =	sld [smem:$0x3FB5];
	_ =	sdelay $0x3  }
0x37: {  	[smem:$0x3FB5] =	sst s10  }
0x38: {  	s10 =	sld [smem:$0x3FB6]  }
0x39: {  	_ = 	snop;
	(pc) =	sbr.ind lr, $3  }
0x3a: {  	_ = 	snop  }
0x3b: {  	_ = 	snop  }
0x3c: {  	p2 =	seq.s32 s10, $0x1;
	s10 =	sld [smem:$0x3FB5]  }
0x3d: {  	_ =	shalt  }
0x3e: {  	_ =	shalt  }
0x3f: {  	_ =	shalt  }
0x40: {  	_ =	shalt  }
0x41: {  	_ =	shalt  }
0x42: {  	_ =	shalt  }
0x43: {  	_ =	shalt  }
0x44: {  	_ =	shalt  }
0x45: {  	_ =	shalt  }
0x46: {  	_ =	shalt  }
0x47: {  	_ =	shalt  }
0x48: {  	_ =	shalt  }
0x49: {  	_ =	shalt  }
0x4a: {  	_ =	shalt  }
0x4b: {  	_ =	shalt  }
0x4c: {  	_ =	shalt  }
0x4d: {  	_ =	shalt  }
0x4e: {  	_ =	shalt  }
0x4f: {  	_ =	shalt  }
0x50: {  	_ =	shalt  }
0x51: {  	_ =	shalt  }
0x52: {  	_ =	shalt  }
0x53: {  	_ =	shalt  }
0x54: {  	_ =	shalt  }
0x55: {  	_ =	shalt  }
0x56: {  	_ =	shalt  }
0x57: {  	_ =	shalt  }
0x58: {  	_ =	shalt  }
0x59: {  	_ =	shalt  }
0x5a: {  	_ =	shalt  }
0x5b: {  	_ =	shalt  }
0x5c: {  	_ =	shalt  }
0x5d: {  	_ =	shalt  }
0x5e: {  	_ =	shalt  }
0x5f: {  	_ =	shalt  }
0x60: {  	_ =	shalt  }
0x61: {  	_ =	shalt  }
0x62: {  	_ =	shalt  }
0x63: {  	_ =	shalt  }
0x64: {  	_ =	shalt  }
0x65: {  	_ =	shalt  }
0x66: {  	_ =	shalt  }
0x67: {  	_ =	shalt  }
0x68: {  	_ =	shalt  }
0x69: {  	_ =	shalt  }
0x6a: {  	_ =	shalt  }
0x6b: {  	_ =	shalt  }
0x6c: {  	_ =	shalt  }
0x6d: {  	_ =	shalt  }
0x6e: {  	_ =	shalt  }
0x6f: {  	_ =	shalt  }
0x70: {  	_ =	shalt  }
0x71: {  	_ =	shalt  }
0x72: {  	_ =	shalt  }
0x73: {  	_ =	shalt  }
0x74: {  	_ =	shalt  }
0x75: {  	_ =	shalt  }
0x76: {  	_ =	shalt  }
0x77: {  	_ =	shalt  }
0x78: {  	_ =	shalt  }
0x79: {  	_ =	shalt  }
0x7a: {  	_ =	shalt  }
0x7b: {  	_ =	shalt  }
0x7c: {  	_ =	shalt  }
0x7d: {  	_ =	shalt  }
0x7e: {  	_ =	shalt  }
0x7f: {  	_ =	shalt  }
0x80: {  	_ =	shalt  }
0x81: {  	_ =	shalt  }
0x82: {  	_ =	shalt  }
0x83: {  	_ =	shalt  }
0x84: {  	_ =	shalt  }
0x85: {  	_ =	shalt  }
0x86: {  	_ =	shalt  }
0x87: {  	_ =	shalt  }
.Lfunc_end0:
.L_simem_size_0:
called_computation_lowered:
.L_overlay_start_0:
0x88: {  	s2 =	sld [smem:$0x3FD9]  }
0x89: {  	s3 =	sld [smem:$0x3FFE];
	_ =	sdelay $0x1  }
0x8a: {  	s1 =	srdreg.scid  }
0x8b: {  	s0 =	sand.u32 $0x1, s1  }
0x8c: {  	s17 =	sshll.u32 s0, $0xA;
	s2 =	sadd.s32 s3, s2  }
0x8d: {  	s2 =	sadd.s32 s2, s17  }
0x8e: {  	[smem:$0x3FC1] =	sst s2  }
0x8f: {  	_ = 	snop  }
0x90: {  	s2 =	sld [smem:$0x3FD0];
	(tm) =	ssettm $0x1  }
0x91: {  	s18 =	sld [smem:$0x3FFB];
	_ =	sdelay $0x3  }
0x92: {  	_ =	strace s18  }
0x93: {  	s3 =	sld [smem:$0x3FFC];
	_ =	sdelay $0x3  }
0x94: {  	_ =	strace s3  }
0x95: {  	s3 =	sld [smem:$0x3FFD];
	_ =	sdelay $0x3  }
0x96: {  	_ =	strace s3  }
0x97: {  	_ =	strace $0x8FFFFFFF  }
0x98: {  	s19 =	sld [smem:$0x3FDB];
	_ =	sdelay $0x1  }
0x99: {  	s4 =	simm.s32 $_scs_section_size  }
0x9a: {  	s5 =	simm.s32 $_size__tile_overlayer_lowered;
	s6 =	simm.s32 $_tile_overlayer_lowered  }
0x9b: {  	s22 =	simm.s32 $0x1BFF;
	s21 =	sshll.u32 s6, $0x1;
	s3 =	sadd.s32 s4, s19  }
0x9c: {  	s7 =	simm.s32 $0x0;
	s20 =	sshll.u32 s5, $0x1;
	s5 =	sadd.s32 s21, s3  }
0x9d: {  	[timem:s7], [sflag:s22] =	dma.local [hbm:s5], s20  }
0x9e: {  	_ =	swait.ge [sflag:s22], s20  }
0x9f: {  	s4 =	ssub.s32 $0x0, s20;
	[sflag:s22] =	ssyncset.done $0x0  }
0xa0: {  	[sflag:s22] =	ssyncadd.s32 s4;
	_ =	sdelay $0x1  }
0xa1: {  	s23 =	simm.s32 $0x1B8B  }
0xa2: {  	_ =	swait.ge [sflag:s23], $0x1  }
0xa3: {  	[sflag:s23] =	ssyncset.done $0x0  }
0xa4: {  	s25 =	simm.s32 $0x1B8E;
	s24 =	sld [smem:$0x3FFE];
	[sflag:s23] =	ssyncadd.s32 $0xFFFFFFFF  }
0xa5: {  	s26 =	simm.s32 $execute0_lowered;
	[smem:$0x3FD2] =	sst s25  }
0xa6: {  	s5 =	sshll.u32 s26, $0x1;
	_ =	strace $0x80000046;
	[dreg:$0x1] =	wrdreg $0xFFFFFFFF  }
0xa7: {  	s28 =	simm.s32 $_size_execute0_lowered;
	s3 =	sadd.s32 s3, s5;
	[dreg:$0x0] =	wrdreg $0x0  }
0xa8: {  	s5 =	sshll.u32 s28, $0x1;
	[dreg:$0x2] =	wrdreg s3  }
0xa9: {  	[dreg:$0x3] =	wrdreg s5  }
0xaa: {  	[dreg:$0x4] =	wrdreg $0xC0  }
0xab: {  	_ =	task [dreg:s7], $0x5FFFF  }
0xac: {  	[dreg:$0x1] =	wrdreg $0xFFFFFFFF  }
0xad: {  	[dreg:$0x0] =	wrdreg $0x60  }
0xae: {  	[dreg:$0x2] =	wrdreg s24  }
0xaf: {  	[dreg:$0x3] =	wrdreg s2  }
0xb0: {  	[dreg:$0x4] =	wrdreg $0x190000  }
0xb1: {  	[dreg:$0x5] =	wrdreg $0x9  }
0xb2: {  	_ =	task.clear_ibuf [dreg:s7], $0x6FFFF;
	_ =	strace $0x90000046  }
0xb3: {  	s29 =	simm.s32 $0x9;
	_ =	strace $0x80000048  }
0xb4: {  	_ =	swait.ge [sflag:s29], $0x1  }
0xb5: {  	[sflag:s29] =	ssyncadd.s32 $0xFFFFFFFF  }
0xb6: {  	_ =	strace $0x90000048  }
0xb7: {  	_ =	sfence  }
0xb8: {  	s30 =	sld [smem:$0x0];
	_ =	sdelay $0x2  }
0xb9: {  	s31 =	sshll.u32 s1, $0xD;
	s1 =	sshrl.u32 s1, $0x2  }
0xba: {  	s3 =	sand.u32 $0x4000, s31;
	s1 =	sadd.s32 s1, s30  }
0xbb: {  	s0 =	sor.u32 s3, s0;
	s1 =	sshll.u32 s1, $0x11  }
0xbc: {  	s0 =	sor.u32 s1, s0  }
0xbd: {  	s0 =	sadd.s32 $0x8F2B, s0  }
0xbe: {  	[sflag:s0] =	ssyncadd.remote.s32 $0x1  }
0xbf: {  	_ =	sfence.sel $0xFFFF  }
0xc0: {  	[dreg:$0x0] =	wrdreg $0xFFFFFFFF;
	(pc) =	sbr.abs _section_cstart, $3  }
0xc1: {  	[dreg:$0x1] =	wrdreg $0xFFFFFFFF  }
0xc2: {  	_ =	task.clear_ibuf [dreg:s7], $0x2FFFF;
	_ =	strace $0x9FFFFFFF  }
0xc3: {  	(tm) =	ssettm $0x7FFFFFFF  }
tec
execute0_lowered:
.L_overlay_start_1:
0x0: {  	(tag) =	ssettag $0x1  }
0x1: {  	s3 =	rddreg [dreg:$0x0]  }
0x2: {  	s12 =	rddreg [dreg:$0x1]  }
0x3: {  	s20 =	rddreg [dreg:$0x2]  }
0x4: {  	s0 =	rddreg [dreg:$0x3];
	s4 =	srdreg.scid  }
0x5: {  	s1 =	stileid.u32;
	s2 =	simm.s32 $0x0;
	s14 =	simm.s32 $0x6400  }
0x6: {  	s15 =	simm.s32 $0xC800;
	s16 =	simm.s32 $0x12C00;
	s21 =	simm.s32 $0x1  }
0x7: {  	s22 =	simm.s32 $0x2;
	s23 =	simm.s32 $0x0;
	s4 =	sand.u32 $0x1, s4  }
0x8: {  	s5 =	sshll.u32 s1, $0x1;
	[smem:$0x7FF] =	sst s2;
	s6 =	smul.u32 $0x19000, s1  }
0x9: {  	s3 =	sadd.s32 $0xA00, s3;
	s8 =	smul.u32 $0x640000, s1;
	s19 =	sshll.u32 s1, $0x6  }
0xa: {  	s5 =	sor.u32 s4, s5;
	_ =	strace $0x80000047;
	s7 =	ssub.s32 $0x2, s4  }
0xb: {  	s10 =	smul.u32 $0x320000, s4;
	s17 =	sor.u32 $0x1C03, s19;
	s19 =	sor.u32 $0x1C02, s19  }
0xc: {  	s5 =	smul.u32 $0x320000, s5;
	s9 =	sshrl.u32 s7, $0x1;
	s6 =	sshrl.u32 s6, $0x2  }
0xd: {  	s11 =	ssub.s32 s7, s9;
	s18 =	sadd.s32 s6, s20;
	s8 =	sadd.s32 s10, s8  }
0xe: {  	s20 =	sshrl.u32 s20, $0x3;
	s5 =	sshrl.u32 s5, $0x3;
	s10 =	sadd.s32 $0x64000, s8  }
0xf: {  	s11 =	smax.u32 s11, $0x1;
	s18 =	sshrl.u32 s18, $0x3;
	s4 =	sadd.s32 s12, s5  }
0x10: {  	s13 =	sshrl.u32 s10, $0x3;
	s5 =	sadd.s32 $0x3E800, s4;
	s6 =	sadd.s32 $0x4B000, s4  }
0x11: {  	s7 =	sadd.s32 $0x57800, s4;
	s8 =	sadd.s32 $0x3200, s4;
	s9 =	sadd.s32 $0x6400, s4  }
0x12: {  	s10 =	sadd.s32 $0x9600, s4;
	s12 =	sadd.s32 s13, s12;
	s13 =	simm.s32 $0x3  }
.LBB2_1:
0x13: {  	[tilespmem:s2], [sflag:$0x3] =	stream.linear.gather [hbm4b:s3+s2], $0x6400, $0x38;
	[tilespmem:$0x1F400] =	vst v63  }
0x14: {  	_ =	swait.ge [sflag:s13], $0x6400  }
0x15: {  	[sflag:s13] =	ssyncset.done $0x0  }
0x16: {  	[sflag:s13] =	ssyncadd.s32 $0xFFFF9C00  }
0x17: {  	[tilespmem:s14], [sflag:$0x3] =	stream.linear.gather [hbm4b:s3+s2], $0x6400, $0x38;
	[tilespmem:$0x1F400] =	vst v63  }
0x18: {  	_ =	swait.ge [sflag:s13], $0x6400  }
0x19: {  	[sflag:s13] =	ssyncset.done $0x0  }
0x1a: {  	[sflag:s13] =	ssyncadd.s32 $0xFFFF9C00  }
0x1b: {  	[tilespmem:s15], [sflag:$0x3] =	stream.linear.gather [hbm4b:s3+s2], $0x6400, $0x38;
	[tilespmem:$0x1F400] =	vst v63  }
0x1c: {  	_ =	swait.ge [sflag:s13], $0x6400  }
0x1d: {  	[sflag:s13] =	ssyncset.done $0x0  }
0x1e: {  	[sflag:s13] =	ssyncadd.s32 $0xFFFF9C00  }
0x1f: {  	[tilespmem:s16], [sflag:$0x3] =	stream.linear.gather [hbm4b:s3+s2], $0x6400, $0x38;
	[tilespmem:$0x1F400] =	vst v63  }
0x20: {  	_ =	swait.ge [sflag:s13], $0x6400  }
0x21: {  	[sflag:s13] =	ssyncset.done $0x0  }
0x22: {  	[sflag:s13] =	ssyncadd.s32 $0xFFFF9C00  }
0x23: {  	[spmem:s18], [sflag:s17] =	dma.local [hbm:s3], $0xC80  }
0x24: {  	_ =	swait.ge [sflag:s13], $0xC80  }
0x25: {  	[sflag:s13] =	ssyncset.done $0x0  }
0x26: {  	[sflag:s13] =	ssyncadd.s32 $0xFFFFF380  }
0x27: {  	[bflag:$0x0] =	sbarrier.arrive $0xFFFF  }
0x28: {  	[hbm:s5], [sflag:s19] =	dma.local [spmem:s20], $0xC800  }
0x29: {  	[hbm:s6], [sflag:s19] =	dma.local [spmem:s20], $0xC800  }
0x2a: {  	[hbm:s7], [sflag:s19] =	dma.local [spmem:s20], $0xC800  }
0x2b: {  	[hbm4b:s4+s2] =	stream.linear.scatter [tilespmem:s2], [sflag:$0x1], $0x19000, $0x38;
	[tilespmem:$0x1F400] =	vst v63  }
0x2c: {  	_ = 	snop  }
0x2d: {  	[hbm4b:s8+s2] =	stream.linear.scatter [tilespmem:s2], [sflag:$0x1], $0x19000, $0x38;
	[tilespmem:$0x1F400] =	vst v63  }
0x2e: {  	_ = 	snop  }
0x2f: {  	[hbm4b:s9+s2] =	stream.linear.scatter [tilespmem:s2], [sflag:$0x1], $0x19000, $0x38;
	[tilespmem:$0x1F400] =	vst v63  }
0x30: {  	_ = 	snop  }
0x31: {  	[hbm4b:s10+s2] =	stream.linear.scatter [tilespmem:s2], [sflag:$0x1], $0x19000, $0x38;
	[tilespmem:$0x1F400] =	vst v63  }
0x32: {  	_ =	swait.ge [sflag:s21], $0x19000  }
0x33: {  	[sflag:s21] =	ssyncset.done $0x0  }
0x34: {  	s24 =	simm.s32 $0x3200;
	s25 =	sadd.s32 $0x0, s12;
	[sflag:s21] =	ssyncadd.s32 $0xFFFE7000  }
.LBB2_2:
0x35: {  	[hbm4b:s25+s2] =	stream.linear.scatter [tilespmem:s2], [sflag:$0x1], $0x19000, $0x38;
	[tilespmem:$0x1F400] =	vst v63  }
0x36: {  	s25 =	smov.u32 s24;
	p0 =	sne.s32 s24, $0x2EE00  }
.Ltmp0:
0x37: {  	s24 =	sadd.s32 $0x3200, s24;
	(pc) =	sbr.rel @p0 .LBB2_2-.Ltmp0, $4  }
0x38: {  	_ = 	snop  }
0x39: {  	_ =	swait.ge [sflag:s21], $0x19000  }
0x3a: {  	[sflag:s21] =	ssyncset.done $0x0  }
0x3b: {  	s25 =	sadd.s32 s25, s12;
	[sflag:s21] =	ssyncadd.s32 $0xFFFE7000  }
0x3c: {  	[hbm4b:s25+s2] =	stream.linear.scatter [tilespmem:s2], [sflag:$0x1], $0x19000, $0x38;
	[tilespmem:$0x1F400] =	vst v63  }
0x3d: {  	_ =	swait.ge [sflag:s21], $0x19000  }
0x3e: {  	[sflag:s21] =	ssyncset.done $0x0  }
0x3f: {  	[sflag:s21] =	ssyncadd.s32 $0xFFFE7000  }
0x40: {  	_ =	swait.ge [sflag:s21], $0x19000  }
0x41: {  	[sflag:s21] =	ssyncset.done $0x0  }
0x42: {  	[sflag:s21] =	ssyncadd.s32 $0xFFFE7000  }
0x43: {  	_ =	swait.ge [sflag:s21], $0x19000  }
0x44: {  	[sflag:s21] =	ssyncset.done $0x0  }
0x45: {  	[sflag:s21] =	ssyncadd.s32 $0xFFFE7000  }
0x46: {  	_ =	swait.ge [sflag:s21], $0x19000  }
0x47: {  	[sflag:s21] =	ssyncset.done $0x0  }
0x48: {  	[sflag:s21] =	ssyncadd.s32 $0xFFFE7000  }
0x49: {  	_ =	swait.ge [sflag:s22], $0xC800  }
0x4a: {  	[sflag:s22] =	ssyncset.done $0x0  }
0x4b: {  	s23 =	sadd.s32 $0x1, s23;
	[sflag:s22] =	ssyncadd.s32 $0xFFFF3800  }
0x4c: {  	p0 =	sne.s32 s23, s11;
	_ =	swait.ge [sflag:s22], $0xC800  }
.Ltmp1:
0x4d: {  	[sflag:s22] =	ssyncset.done $0x0;
	(pc) =	sbr.rel @p0 .LBB2_1-.Ltmp1, $4  }
0x4e: {  	[sflag:s22] =	ssyncadd.s32 $0xFFFF3800  }
0x4f: {  	_ =	swait.ge [sflag:s22], $0xC800  }
0x50: {  	[sflag:s22] =	ssyncset.done $0x0  }
0x51: {  	[sflag:s22] =	ssyncadd.s32 $0xFFFF3800  }
0x52: {  	_ =	sfence.sel $0x180000  }
0x53: {  	[bflag:$0x0] =	sbarrier.arrive $0xFFFF  }
0x54: {  	p0 =	sne.s32 s1, $0x0;
	_ =	strace $0x90000047  }
0x55: {  	s0 =	sadd.s32 @!p0 $0x100000, s0;
	[bflag:$0x2] =	sbarrier.arrive $0xFFFF  }
0x56: {  	[sflag:s0] =	ssyncadd.tile.s32 @!p0 $0x1;
	_ =	shalt  }
.Lfunc_end2:
_tile_overlayer_lowered:
.L_overlay_start_2:
0x57: {  	(tag) =	ssettag $0x2  }
0x58: {  	s0 =	rddreg [dreg:$0x0];
	s2 =	stileid.u32  }
0x59: {  	s1 =	rddreg [dreg:$0x1];
	p0 =	sne.s32 s2, $0x0  }
0x5a: {  	s3 =	rddreg [dreg:$0x2];
	[bflag:$0x3] =	sbarrier.arrive $0xFFFF;
	s2 =	simm.s32 @!p0 $0x1C03  }
0x5b: {  	[timem:s3], [sflag:s2] =	dma.local @!p0 [hbm:s0], s1  }
0x5c: {  	s0 =	simm.s32 @!p0 $0x3  }
0x5d: {  	_ =	swait.ge @!p0 [sflag:s0], s1  }
0x5e: {  	s1 =	ssub.s32 @!p0 $0x0, s1;
	[sflag:s0] =	ssyncset.done @!p0 $0x0  }
0x5f: {  	[sflag:s0] =	ssyncadd.s32 @!p0 s1  }
0x60: {  	[bflag:$0x3] =	sbarrier.arrive $0xFFFF  }
0x61: {  	_ =	shalt  }

</sc_bundles>
